<compile_context>
chip_gen: v7x
topology: tpu7x:2x2x1
jax: 0.10.2.dev20260603
libtpu: 0.0.44.dev20260713+nightly
codegen_flags: <defaults>
</compile_context>

<pallas_src>
import functools
from math import sqrt

import jax
import jax.numpy as jnp
from jax import lax
from jax.experimental import pallas as pl
from jax.experimental.pallas import tpu as pltpu
from jax.experimental.pallas import tpu_sc as plsc

N_NODES = 10000
N_EDGES = 320000
D_EMB = 128
DK = 16
DV = 16
HEADS = 8

NC = 2
NS = 16
NW = NC * NS
EPW = N_EDGES // NW
GC = 200
G_CHUNKS = EPW // GC
SC_CHUNK = 200
S_CHUNKS = N_EDGES // SC_CHUNK
S_CHUNKS_PW = -(-S_CHUNKS // NW)
N_PAD = 10240
RPT = N_PAD // NS

EB = 3200
N_EBLK = N_EDGES // EB

_SC_MESH = plsc.VectorSubcoreMesh(core_axis_name="c", subcore_axis_name="s")


def _qkv_body(x_ref, w_ref, b_ref, q_ref, kv_ref):
    qkv = jnp.dot(x_ref[...], w_ref[...].T, preferred_element_type=jnp.float32)
    qkv = qkv + b_ref[...]
    q_ref[...] = qkv[:, : DK * HEADS]
    kv_ref[...] = qkv[:, DK * HEADS:]


def _qkv_project(x, W_qkv, b_qkv):
    n = x.shape[0]
    return pl.pallas_call(
        _qkv_body,
        out_shape=(
            jax.ShapeDtypeStruct((n, DK * HEADS), jnp.float32),
            jax.ShapeDtypeStruct((n, (DK + DV) * HEADS), jnp.float32),
        ),
    )(x, W_qkv, b_qkv.reshape(1, -1))


def _gather_body(q_hbm, kv_hbm, ridx_hbm, sidx_hbm, qr_out, kvs_out,
                 ridx_v, sidx_v, qbuf, kvbuf, sem):
    wid = lax.axis_index("c") * NS + lax.axis_index("s")
    base_w = wid * EPW

    @pl.loop(0, G_CHUNKS)
    def _(j):
        base = base_w + j * GC
        pltpu.sync_copy(ridx_hbm.at[pl.ds(base, GC)], ridx_v)
        pltpu.sync_copy(sidx_hbm.at[pl.ds(base, GC)], sidx_v)
        pltpu.async_copy(q_hbm.at[ridx_v], qbuf, sem).wait()
        pltpu.async_copy(kv_hbm.at[sidx_v], kvbuf, sem).wait()
        pltpu.sync_copy(qbuf, qr_out.at[pl.ds(base, GC)])
        pltpu.sync_copy(kvbuf, kvs_out.at[pl.ds(base, GC)])


@jax.jit
def _edge_gather(Q, KV, recv, send):
    k = pl.kernel(
        _gather_body,
        out_type=(
            jax.ShapeDtypeStruct((N_EDGES, DK * HEADS), jnp.float32),
            jax.ShapeDtypeStruct((N_EDGES, (DK + DV) * HEADS), jnp.float32),
        ),
        mesh=_SC_MESH,
        scratch_types=[
            pltpu.VMEM((GC,), jnp.int32),
            pltpu.VMEM((GC,), jnp.int32),
            pltpu.VMEM((GC, DK * HEADS), jnp.float32),
            pltpu.VMEM((GC, (DK + DV) * HEADS), jnp.float32),
            pltpu.SemaphoreType.DMA,
        ],
    )
    return k(Q, KV, recv, send)


def _logits_body(qr_ref, ks_ref, s_ref, e_ref, att_ref, bmax_ref):
    p = qr_ref[...] * ks_ref[...]
    att_t = lax.dot_general(s_ref[...], p, (((0,), (1,)), ((), ())),
                            preferred_element_type=jnp.float32)
    att_t = att_t * (1.0 / sqrt(DK))
    att_ref[...] = att_t
    mx = jnp.max(att_t, axis=1)
    bmax_ref[...] = jnp.dot(mx, e_ref[...],
                            preferred_element_type=jnp.float32).reshape(1, 1, -1)


def _edge_logits(Qr, KVs, S, E):
    return pl.pallas_call(
        _logits_body,
        grid=(N_EBLK,),
        in_specs=[
            pl.BlockSpec((EB, 128), lambda i: (i, 0)),
            pl.BlockSpec((EB, 128), lambda i: (i, 0)),
            pl.BlockSpec((128, 8), lambda i: (0, 0)),
            pl.BlockSpec((8, 128), lambda i: (0, 0)),
        ],
        out_specs=[
            pl.BlockSpec((8, EB), lambda i: (0, i)),
            pl.BlockSpec((1, 1, 128), lambda i: (i, 0, 0)),
        ],
        out_shape=(
            jax.ShapeDtypeStruct((8, N_EDGES), jnp.float32),
            jax.ShapeDtypeStruct((N_EBLK, 1, 128), jnp.float32),
        ),
    )(Qr, KVs[:, : DK * HEADS], S, E)


def _expmsg_body(att_ref, g_ref, vs_ref, e_ref, w_ref, msg_ref):
    pt = jnp.exp(att_ref[...] - g_ref[...][:, 0:1])
    w = lax.dot_general(pt, e_ref[...], (((0,), (0,)), ((), ())),
                        preferred_element_type=jnp.float32)
    w_ref[...] = w
    msg_ref[...] = w * vs_ref[...]


def _exp_msg(att_T, gfull, KVs, E):
    return pl.pallas_call(
        _expmsg_body,
        grid=(N_EBLK,),
        in_specs=[
            pl.BlockSpec((8, EB), lambda i: (0, i)),
            pl.BlockSpec((8, 128), lambda i: (0, 0)),
            pl.BlockSpec((EB, 128), lambda i: (i, 1)),
            pl.BlockSpec((8, 128), lambda i: (0, 0)),
        ],
        out_specs=[
            pl.BlockSpec((EB, 128), lambda i: (i, 0)),
            pl.BlockSpec((EB, 128), lambda i: (i, 0)),
        ],
        out_shape=(
            jax.ShapeDtypeStruct((N_EDGES, 128), jnp.float32),
            jax.ShapeDtypeStruct((N_EDGES, 128), jnp.float32),
        ),
    )(att_T, gfull, KVs, E)


def _barrier(flg_hbm, fbuf, onebuf, donebuf, cid, sid, phase):
    @pl.loop(0, 8)
    def _(r):
        onebuf[r, :] = jnp.full((16,), phase, jnp.float32)

    pltpu.sync_copy(onebuf, flg_hbm.at[cid, pl.ds(sid * 8, 8)])

    donebuf[0] = 0

    @pl.loop(0, 4096)
    def _(i):
        @pl.when(donebuf[0] == 0)
        def _():
            pltpu.sync_copy(flg_hbm.at[cid], fbuf)
            cnt = jnp.int32(0)
            for t in range(NS):
                v = fbuf[t * 8, :]
                cnt += jnp.where(v[0] >= phase, 1, 0).astype(jnp.int32)

            @pl.when(cnt >= NS)
            def _():
                donebuf[0] = 1


def _segsum_body(pay_hbm, ridx_hbm, z_hbm, flg_hbm, out_hbm,
                 paybuf, idxbuf, fbuf, onebuf, donebuf, sacc):
    cid = lax.axis_index("c")
    sid = lax.axis_index("s")
    wid = cid * NS + sid
    base_r = sid * RPT

    pltpu.sync_copy(z_hbm, paybuf)

    @pl.loop(0, 3)
    def _(z):
        pltpu.sync_copy(paybuf, sacc.at[pl.ds(base_r + z * SC_CHUNK, SC_CHUNK)])

    pltpu.sync_copy(paybuf.at[pl.ds(0, RPT - 3 * SC_CHUNK)],
                    sacc.at[pl.ds(base_r + 3 * SC_CHUNK, RPT - 3 * SC_CHUNK)])

    _barrier(flg_hbm, fbuf, onebuf, donebuf, cid, sid, 1.0)

    @pl.loop(0, S_CHUNKS_PW)
    def _(j):
        k = j * NW + wid

        @pl.when(k < S_CHUNKS)
        def _():
            base = k * SC_CHUNK
            pltpu.sync_copy(ridx_hbm.at[pl.ds(base, SC_CHUNK)], idxbuf)
            pltpu.sync_copy(pay_hbm.at[pl.ds(base, SC_CHUNK)], paybuf)
            pltpu.sync_copy(paybuf, sacc.at[idxbuf], add=True)

    _barrier(flg_hbm, fbuf, onebuf, donebuf, cid, sid, 2.0)

    @pl.loop(0, 3)
    def _(z):
        off = base_r + z * SC_CHUNK
        pltpu.sync_copy(sacc.at[pl.ds(off, SC_CHUNK)], paybuf)
        pltpu.sync_copy(paybuf, out_hbm.at[cid, pl.ds(off, SC_CHUNK)])

    tail = RPT - 3 * SC_CHUNK
    off2 = base_r + 3 * SC_CHUNK
    pltpu.sync_copy(sacc.at[pl.ds(off2, tail)], paybuf.at[pl.ds(0, tail)])
    pltpu.sync_copy(paybuf.at[pl.ds(0, tail)], out_hbm.at[cid, pl.ds(off2, tail)])


@jax.jit
def _segment_sum_128(payload, recv, flag_salt):
    zeros = jnp.zeros((SC_CHUNK, 128), jnp.float32)
    flgz = jnp.broadcast_to(flag_salt * 0.0, (NC, NS * 8, 16))
    k = pl.kernel(
        _segsum_body,
        out_type=jax.ShapeDtypeStruct((NC, N_PAD, 128), jnp.float32),
        mesh=_SC_MESH,
        scratch_types=[
            pltpu.VMEM((SC_CHUNK, 128), jnp.float32),
            pltpu.VMEM((SC_CHUNK,), jnp.int32),
            pltpu.VMEM((NS * 8, 16), jnp.float32),
            pltpu.VMEM((8, 16), jnp.float32),
            pltpu.SMEM((1,), jnp.int32),
            pltpu.VMEM_SHARED((N_PAD, 128), jnp.float32),
        ],
    )
    return k(payload, recv, zeros, flgz)


def _final_body(num_ref, den_ref, w_ref, b_ref, out_ref):
    num = num_ref[0] + num_ref[1]
    divisor = den_ref[0] + den_ref[1]
    o = jnp.where(divisor > 0.0, num / divisor, 0.0)
    out_ref[...] = jnp.dot(o, w_ref[...].T,
                           preferred_element_type=jnp.float32) + b_ref[...]


def _finalize(num_p, den_p, W_ff, b_ff):
    return pl.pallas_call(
        _final_body,
        out_shape=jax.ShapeDtypeStruct((N_NODES, D_EMB), jnp.float32),
    )(num_p, den_p, W_ff, b_ff.reshape(1, -1))


def kernel(x, edge_index, W_qkv, b_qkv, W_ff, b_ff):
    send = edge_index[0]
    recv = edge_index[1]
    E = jnp.repeat(jnp.eye(HEADS, dtype=jnp.float32), DK, axis=1)
    S = E.T

    Q, KV = _qkv_project(x, W_qkv, b_qkv)
    Qr, KVs = _edge_gather(Q, KV, recv, send)
    att_T, bmax = _edge_logits(Qr, KVs, S, E)
    gmax128 = jnp.max(bmax[:, 0, :], axis=0)
    gfull = jnp.broadcast_to(gmax128[::DK, None], (HEADS, 128))
    w, msg = _exp_msg(att_T, gfull, KVs, E)
    num_p = _segment_sum_128(msg, recv, x[0, 0])
    den_p = _segment_sum_128(w, recv, x[1, 1])
    return _finalize(num_p[:, :N_NODES], den_p[:, :N_NODES], W_ff, b_ff)

# --- scband reference (transcript-rebuilt; emitter-appended) ---
"""Pipeline reference for scband-attention-block-90417651515809 (READ-ONLY COPY).

The authoritative reference and input builder live on the scoring server;
editing this copy changes nothing except your own understanding.
"""

import jax, jax.numpy as jnp
import numpy as np
from math import sqrt

N_NODES = 10000
N_EDGES = 320000
D_EMB = 128
DK = 16
DV = 16
HEADS = 8


def _linear_init(key, out_f, in_f):
    k1, k2 = jax.random.split(key)
    bound = 1.0 / sqrt(in_f)
    W = jax.random.uniform(k1, (out_f, in_f), minval=-bound, maxval=bound, dtype=jnp.float32)
    b = jax.random.uniform(k2, (out_f,), minval=-bound, maxval=bound, dtype=jnp.float32)
    return W, b


def setup_inputs(seed: int = 0) -> dict:
    key = jax.random.key(seed)
    kx, ke, kq, kf = jax.random.split(key, 4)
    x = jax.random.normal(kx, (N_NODES, D_EMB), dtype=jnp.float32)
    edge_index = jax.random.randint(ke, (2, N_EDGES), 0, N_NODES, dtype=jnp.int32)
    W_qkv, b_qkv = _linear_init(kq, (2 * DK + DV) * HEADS, D_EMB)
    W_ff, b_ff = _linear_init(kf, D_EMB, DV * HEADS)
    return {"x": x, "edge_index": edge_index, "W_qkv": W_qkv, "b_qkv": b_qkv, "W_ff": W_ff, "b_ff": b_ff}


def reference(x, edge_index, W_qkv, b_qkv, W_ff, b_ff):
    # make_QKV: single linear then split into Q, K, V heads
    qkv = x @ W_qkv.T + b_qkv
    Q, K, V = jnp.split(qkv, [DK * HEADS, 2 * DK * HEADS], axis=-1)
    Q = Q.reshape(-1, HEADS, DK)
    K = K.reshape(-1, HEADS, DK)
    V = V.reshape(-1, HEADS, DV)

    senders = edge_index[0]
    receivers = edge_index[1]

    # per-edge attention logits (M, h)
    att = (Q[receivers] * K[senders]).sum(axis=-1) / sqrt(DK)

    # softmax over incoming edges per receiver node (scatter amax, subtract, exp, normalize)
    translation = jax.ops.segment_max(att, receivers, num_segments=N_NODES)
    att = jnp.exp(att - translation[receivers])
    sums = jax.ops.segment_sum(att, receivers, num_segments=N_NODES)
    att = att / sums[receivers]
    att = jnp.where(jnp.isnan(att), 0.0, att)

    # weighted message aggregation: out[r] += att * V[s]
    msg = att[..., None] * V[senders]
    out = jax.ops.segment_sum(msg, receivers, num_segments=N_NODES)

    # aggregate_heads: linear over flattened heads
    out = out.reshape(-1, HEADS * DV) @ W_ff.T + b_ff
    # dropout p=0.0 -> identity
    return out

if __name__ == "__main__":
    import jax
    _d = setup_inputs()
    print(jax.jit(kernel)(*tuple(_d.values())))

</pallas_src>

<mosaic_0001>
#map = affine_map<(d0, d1) -> (0, 0)>
#map1 = affine_map<(d0, d1) -> (0)>
module attributes {stable_mosaic.version = 14 : i64} {
  func.func @_gather_body(%arg0: i32, %arg1: i32, %arg2: memref<10000x128xf32, #tpu.memory_space<hbm>>, %arg3: memref<10000x256xf32, #tpu.memory_space<hbm>>, %arg4: memref<320000xi32, #tpu.memory_space<hbm>>, %arg5: memref<320000xi32, #tpu.memory_space<hbm>>, %arg6: memref<320000x128xf32, #tpu.memory_space<hbm>>, %arg7: memref<320000x256xf32, #tpu.memory_space<hbm>>, %arg8: memref<200xi32, #tpu.memory_space<vmem>>, %arg9: memref<200xi32, #tpu.memory_space<vmem>>, %arg10: memref<200x128xf32, #tpu.memory_space<vmem>>, %arg11: memref<200x256xf32, #tpu.memory_space<vmem>>, %arg12: memref<!tpu.dma_semaphore, #tpu.memory_space<semaphore_mem>>) attributes {dimension_semantics = [#tpu.dimension_semantics<core_parallel>, #tpu.dimension_semantics<subcore_parallel>], iteration_bounds = array<i64: 2, 16>, scalar_prefetch = 0 : i64, scratch_operands = 5 : i64, tpu.core_type = #tpu.core_type<sc_vector_subcore>, window_params = [{transform_indices = #map}, {transform_indices = #map}, {transform_indices = #map1}, {transform_indices = #map1}, {transform_indices = #map}, {transform_indices = #map}]} {
    %mul3A = arith.constant 16 : i32
    %mul3A_0 = arith.muli %arg0, %mul3A : i32
    %add3A = arith.addi %mul3A_0, %arg1 : i32
    %mul3A_1 = arith.constant 10000 : i32
    %mul3A_2 = arith.muli %add3A, %mul3A_1 : i32
    %scan3A = arith.constant 0 : i32
    %scan3A_3 = arith.constant 50 : i32
    %scan3A_4 = arith.addi %scan3A, %scan3A_3 : i32
    %scan3A_5 = arith.constant 1 : i32
    scf.for %scan3A_7 = %scan3A to %scan3A_4 step %scan3A_5  : i32 {
      %mul3A_8 = arith.constant 1 : i32
      %mul3A_9 = arith.muli %scan3A_7, %mul3A_8 : i32
      %add3A_10 = arith.constant 0 : i32
      %add3A_11 = arith.addi %add3A_10, %mul3A_9 : i32
      %mul3A_12 = arith.constant 200 : i32
      %mul3A_13 = arith.muli %add3A_11, %mul3A_12 : i32
      %add3A_14 = arith.addi %mul3A_2, %mul3A_13 : i32
      "tpu.region"() ({
        %run_scoped3A = tpu.sem_alloc : memref<!tpu.dma_semaphore, #tpu.memory_space<semaphore_mem>>
        %dma_start3A_25 = tpu.memref_slice %arg4[%add3A_14] : memref<320000xi32, #tpu.memory_space<hbm>> -> memref<200xi32, #tpu.memory_space<hbm>>
        %dma_start3A_26 = tpu.memref_slice %arg4[%add3A_14] : memref<320000xi32, #tpu.memory_space<hbm>> -> memref<200xi32, #tpu.memory_space<hbm>>
        tpu.enqueue_dma source(%dma_start3A_26 : memref<200xi32, #tpu.memory_space<hbm>>) target(%arg8 : memref<200xi32, #tpu.memory_space<vmem>>) target_semaphore(%run_scoped3A : memref<!tpu.dma_semaphore, #tpu.memory_space<semaphore_mem>>)
        %dma_wait3A_27 = tpu.memref_slice %arg4[%add3A_14] : memref<320000xi32, #tpu.memory_space<hbm>> -> memref<200xi32, #tpu.memory_space<hbm>>
        %dma_wait3A_28 = tpu.memref_slice %arg4[%add3A_14] : memref<320000xi32, #tpu.memory_space<hbm>> -> memref<200xi32, #tpu.memory_space<hbm>>
        tpu.wait_dma2 semaphore(%run_scoped3A : memref<!tpu.dma_semaphore, #tpu.memory_space<semaphore_mem>>) src(%dma_wait3A_28 : memref<200xi32, #tpu.memory_space<hbm>>) dst(%arg8 : memref<200xi32, #tpu.memory_space<vmem>>)
        tpu.yield
      }) : () -> ()
      "tpu.region"() ({
        %run_scoped3A = tpu.sem_alloc : memref<!tpu.dma_semaphore, #tpu.memory_space<semaphore_mem>>
        %dma_start3A_25 = tpu.memref_slice %arg5[%add3A_14] : memref<320000xi32, #tpu.memory_space<hbm>> -> memref<200xi32, #tpu.memory_space<hbm>>
        %dma_start3A_26 = tpu.memref_slice %arg5[%add3A_14] : memref<320000xi32, #tpu.memory_space<hbm>> -> memref<200xi32, #tpu.memory_space<hbm>>
        tpu.enqueue_dma source(%dma_start3A_26 : memref<200xi32, #tpu.memory_space<hbm>>) target(%arg9 : memref<200xi32, #tpu.memory_space<vmem>>) target_semaphore(%run_scoped3A : memref<!tpu.dma_semaphore, #tpu.memory_space<semaphore_mem>>)
        %dma_wait3A_27 = tpu.memref_slice %arg5[%add3A_14] : memref<320000xi32, #tpu.memory_space<hbm>> -> memref<200xi32, #tpu.memory_space<hbm>>
        %dma_wait3A_28 = tpu.memref_slice %arg5[%add3A_14] : memref<320000xi32, #tpu.memory_space<hbm>> -> memref<200xi32, #tpu.memory_space<hbm>>
        tpu.wait_dma2 semaphore(%run_scoped3A : memref<!tpu.dma_semaphore, #tpu.memory_space<semaphore_mem>>) src(%dma_wait3A_28 : memref<200xi32, #tpu.memory_space<hbm>>) dst(%arg9 : memref<200xi32, #tpu.memory_space<vmem>>)
        tpu.yield
      }) : () -> ()
      %dma_start3A = arith.constant 0 : i32
      %dma_start3A_15 = arith.constant 0 : i32
      %dma_start3A_16 = tpu.memref_slice %arg2[%dma_start3A, %dma_start3A_15] : memref<10000x128xf32, #tpu.memory_space<hbm>> -> memref<10000x128xf32, #tpu.memory_space<hbm>>
      tpu.enqueue_indirect_dma source(%dma_start3A_16 : memref<10000x128xf32, #tpu.memory_space<hbm>>) target(%arg10 : memref<200x128xf32, #tpu.memory_space<vmem>>) offsets(%arg8 : memref<200xi32, #tpu.memory_space<vmem>>) semaphore(%arg12 : memref<!tpu.dma_semaphore, #tpu.memory_space<semaphore_mem>>)
      %dma_wait3A = arith.constant 0 : i32
      %dma_wait3A_17 = arith.constant 0 : i32
      %dma_wait3A_18 = tpu.memref_slice %arg2[%dma_wait3A, %dma_wait3A_17] : memref<10000x128xf32, #tpu.memory_space<hbm>> -> memref<10000x128xf32, #tpu.memory_space<hbm>>
      tpu.wait_indirect_dma semaphore(%arg12 : memref<!tpu.dma_semaphore, #tpu.memory_space<semaphore_mem>>) src(%dma_wait3A_18 : memref<10000x128xf32, #tpu.memory_space<hbm>>) dst(%arg10 : memref<200x128xf32, #tpu.memory_space<vmem>>)
      %dma_start3A_19 = arith.constant 0 : i32
      %dma_start3A_20 = arith.constant 0 : i32
      %dma_start3A_21 = tpu.memref_slice %arg3[%dma_start3A_19, %dma_start3A_20] : memref<10000x256xf32, #tpu.memory_space<hbm>> -> memref<10000x256xf32, #tpu.memory_space<hbm>>
      tpu.enqueue_indirect_dma source(%dma_start3A_21 : memref<10000x256xf32, #tpu.memory_space<hbm>>) target(%arg11 : memref<200x256xf32, #tpu.memory_space<vmem>>) offsets(%arg9 : memref<200xi32, #tpu.memory_space<vmem>>) semaphore(%arg12 : memref<!tpu.dma_semaphore, #tpu.memory_space<semaphore_mem>>)
      %dma_wait3A_22 = arith.constant 0 : i32
      %dma_wait3A_23 = arith.constant 0 : i32
      %dma_wait3A_24 = tpu.memref_slice %arg3[%dma_wait3A_22, %dma_wait3A_23] : memref<10000x256xf32, #tpu.memory_space<hbm>> -> memref<10000x256xf32, #tpu.memory_space<hbm>>
      tpu.wait_indirect_dma semaphore(%arg12 : memref<!tpu.dma_semaphore, #tpu.memory_space<semaphore_mem>>) src(%dma_wait3A_24 : memref<10000x256xf32, #tpu.memory_space<hbm>>) dst(%arg11 : memref<200x256xf32, #tpu.memory_space<vmem>>)
      "tpu.region"() ({
        %run_scoped3A = tpu.sem_alloc : memref<!tpu.dma_semaphore, #tpu.memory_space<semaphore_mem>>
        %dma_start3A_25 = arith.constant 0 : i32
        %dma_start3A_26 = tpu.memref_slice %arg6[%add3A_14, %dma_start3A_25] : memref<320000x128xf32, #tpu.memory_space<hbm>> -> memref<200x128xf32, #tpu.memory_space<hbm>>
        %dma_start3A_27 = arith.constant 0 : i32
        %dma_start3A_28 = tpu.memref_slice %arg6[%add3A_14, %dma_start3A_27] : memref<320000x128xf32, #tpu.memory_space<hbm>> -> memref<200x128xf32, #tpu.memory_space<hbm>>
        tpu.enqueue_dma source(%arg10 : memref<200x128xf32, #tpu.memory_space<vmem>>) target(%dma_start3A_28 : memref<200x128xf32, #tpu.memory_space<hbm>>) target_semaphore(%run_scoped3A : memref<!tpu.dma_semaphore, #tpu.memory_space<semaphore_mem>>)
        %dma_wait3A_29 = arith.constant 0 : i32
        %dma_wait3A_30 = tpu.memref_slice %arg6[%add3A_14, %dma_wait3A_29] : memref<320000x128xf32, #tpu.memory_space<hbm>> -> memref<200x128xf32, #tpu.memory_space<hbm>>
        %dma_wait3A_31 = arith.constant 0 : i32
        %dma_wait3A_32 = tpu.memref_slice %arg6[%add3A_14, %dma_wait3A_31] : memref<320000x128xf32, #tpu.memory_space<hbm>> -> memref<200x128xf32, #tpu.memory_space<hbm>>
        tpu.wait_dma2 semaphore(%run_scoped3A : memref<!tpu.dma_semaphore, #tpu.memory_space<semaphore_mem>>) src(%arg10 : memref<200x128xf32, #tpu.memory_space<vmem>>) dst(%dma_wait3A_32 : memref<200x128xf32, #tpu.memory_space<hbm>>)
        tpu.yield
      }) : () -> ()
      "tpu.region"() ({
        %run_scoped3A = tpu.sem_alloc : memref<!tpu.dma_semaphore, #tpu.memory_space<semaphore_mem>>
        %dma_start3A_25 = arith.constant 0 : i32
        %dma_start3A_26 = tpu.memref_slice %arg7[%add3A_14, %dma_start3A_25] : memref<320000x256xf32, #tpu.memory_space<hbm>> -> memref<200x256xf32, #tpu.memory_space<hbm>>
        %dma_start3A_27 = arith.constant 0 : i32
        %dma_start3A_28 = tpu.memref_slice %arg7[%add3A_14, %dma_start3A_27] : memref<320000x256xf32, #tpu.memory_space<hbm>> -> memref<200x256xf32, #tpu.memory_space<hbm>>
        tpu.enqueue_dma source(%arg11 : memref<200x256xf32, #tpu.memory_space<vmem>>) target(%dma_start3A_28 : memref<200x256xf32, #tpu.memory_space<hbm>>) target_semaphore(%run_scoped3A : memref<!tpu.dma_semaphore, #tpu.memory_space<semaphore_mem>>)
        %dma_wait3A_29 = arith.constant 0 : i32
        %dma_wait3A_30 = tpu.memref_slice %arg7[%add3A_14, %dma_wait3A_29] : memref<320000x256xf32, #tpu.memory_space<hbm>> -> memref<200x256xf32, #tpu.memory_space<hbm>>
        %dma_wait3A_31 = arith.constant 0 : i32
        %dma_wait3A_32 = tpu.memref_slice %arg7[%add3A_14, %dma_wait3A_31] : memref<320000x256xf32, #tpu.memory_space<hbm>> -> memref<200x256xf32, #tpu.memory_space<hbm>>
        tpu.wait_dma2 semaphore(%run_scoped3A : memref<!tpu.dma_semaphore, #tpu.memory_space<semaphore_mem>>) src(%arg11 : memref<200x256xf32, #tpu.memory_space<vmem>>) dst(%dma_wait3A_32 : memref<200x256xf32, #tpu.memory_space<hbm>>)
        tpu.yield
      }) : () -> ()
    }
    %scan3A_6 = arith.constant 50 : i32
    return
  }
}

</mosaic_0001>

<sc_bundles>
// kernel: _edge_gather.3.cloned.1.call-start
scs
__scs_entry_jumppad:
0x0: {  	(pc) =	sbr.rel $0x88, $3  }
0x1: {  	(tag) =	ssettag $0x0;
	lr =	simm.s32 $0x1  }
0x2: {  	[smem:$0x3F9D] =	sst lr;
	_ =	strace $0xD0000000  }
0x3: {  	_ = 	snop  }
0x4: {  	_ = 	snop  }
0x5: {  	_ = 	snop  }
0x6: {  	_ = 	snop  }
0x7: {  	_ = 	snop  }
__scs_overlays_trampoline_lowered:
0x8: {  	[smem:$0x3FAC] =	sst s0  }
0x9: {  	[smem:$0x3FAD] =	sst s1  }
0xa: {  	[smem:$0x3FAE] =	sst s2  }
0xb: {  	[smem:$0x3FAF] =	sst s3  }
0xc: {  	[smem:$0x3FB0] =	sst s4  }
0xd: {  	[smem:$0x3FB1] =	sst s5  }
0xe: {  	[smem:$0x3FB2] =	sst s6  }
0xf: {  	[smem:$0x3FB3] =	sst s7  }
0x10: {  	[smem:$0x3FB4] =	sst s8  }
0x11: {  	[smem:$0x3FB5] =	sst s9;
	s0 =	simm.s32 @!p0 $0x0  }
0x12: {  	s1 =	sld [smem:$0x3F9B];
	s0 =	simm.s32 @p0 $0x1  }
0x13: {  	[smem:$0x3FB6] =	sst s0;
	s0 =	simm.s32 @!p1 $0x0  }
0x14: {  	s2 =	sld [smem:$0x3F9A];
	s0 =	simm.s32 @p1 $0x1  }
0x15: {  	[smem:$0x3FB7] =	sst s0;
	s0 =	simm.s32 @!p2 $0x0  }
0x16: {  	s3 =	sld [smem:$0x3FDB];
	s0 =	simm.s32 @p2 $0x1  }
0x17: {  	s4 =	simm.s32 $0x1BF5;
	[smem:$0x3FB9] =	sst s0  }
0x18: {  	s0 =	sld [smem:$0x3F9C];
	_ =	swait.ge [sflag:s4], $0x0  }
0x19: {  	s7 =	sld [smem:$0x3F9D]  }
0x1a: {  	s8 =	sadd.s32 $0xFFFFE003, lr  }
0x1b: {  	s9 =	sadd.s32 $0xFFFFFEF7, lr;
	s5 =	simm.s32 $0xFFFFFFFF;
	p2 =	slt.u32 s8, $0xFFFFF086  }
0x1c: {  	p1 =	slt.u32 s9, $0xF7A;
	s5 =	simm.s32 @!p2 $0x0  }
0x1d: {  	s5 =	simm.s32 @p1 $0x1;
	p0 =	seq.s32 s7, s2  }
0x1e: {  	s7 =	smul.u32 @!p0 $0xF7A, s2;
	p2 =	seq.s32 @!p0 s5, $0x0  }
0x1f: {  	s9 =	smul.u32 $0xF7A, s1;
	s8 =	simm.s32 @!p0 $0x1BF5;
	p2 =	por !p2, p0  }
0x20: {  	[sflag:s8] =	ssyncset.s32 @!p0 $0xFFFFF086;
	s6 =	sadd.s32 @!p0 s3, s7;
	s7 =	simm.s32 @!p0 $0x108  }
0x21: {  	s3 =	sadd.s32 s3, s9;
	s6 =	sadd.s32 @!p0 $0x88, s6;
	s7 =	simm.s32 @p2 $0x1082  }
0x22: {  	[simem:s7], [sflag:s8] =	dma.local @!p0 [hbm:s6], $0xF7A  }
0x23: {  	s9 =	sor.u32 $0xD0000000, s2;
	s6 =	simm.s32 $0x108;
	_ =	swait.ge @!p0 [sflag:s8], $0x0  }
0x24: {  	s3 =	sadd.s32 $0x88, s3;
	s6 =	simm.s32 @!p1 $0x1082;
	[sflag:s4] =	ssyncset.s32 $0xFFFFF086  }
0x25: {  	[simem:s6], [sflag:s4] =	dma.local [hbm:s3], $0xF7A  }
0x26: {  	[smem:$0x3F9D] =	sst s1;
	(tag) =	ssettag s2;
	_ =	strace s9  }
0x27: {  	s1 =	sld [smem:$0x3FAD]  }
0x28: {  	s2 =	sld [smem:$0x3FAE]  }
0x29: {  	s4 =	sld [smem:$0x3FB0]  }
0x2a: {  	p0 =	seq.s32 s5, $0x0;
	s5 =	sld [smem:$0x3FB1]  }
0x2b: {  	s6 =	sld [smem:$0x3FB2]  }
0x2c: {  	s7 =	sld [smem:$0x3FB3]  }
0x2d: {  	s3 =	simm.s32 $0x108;
	s8 =	sld [smem:$0x3FB4]  }
0x2e: {  	s3 =	simm.s32 @!p0 $0x1082;
	s9 =	sld [smem:$0x3FB5]  }
0x2f: {  	lr =	sadd.s32 s0, s3;
	s0 =	sld [smem:$0x3FAC]  }
0x30: {  	s3 =	sld [smem:$0x3FAF]  }
0x31: {  	[smem:$0x3FB8] =	sst s10  }
0x32: {  	s10 =	sld [smem:$0x3FB6];
	_ =	sdelay $0x3  }
0x33: {  	p0 =	seq.s32 s10, $0x1;
	s10 =	sld [smem:$0x3FB8];
	_ =	sdelay $0x3  }
0x34: {  	[smem:$0x3FB8] =	sst s10  }
0x35: {  	s10 =	sld [smem:$0x3FB7];
	_ =	sdelay $0x3  }
0x36: {  	p1 =	seq.s32 s10, $0x1;
	s10 =	sld [smem:$0x3FB8];
	_ =	sdelay $0x3  }
0x37: {  	[smem:$0x3FB8] =	sst s10  }
0x38: {  	s10 =	sld [smem:$0x3FB9]  }
0x39: {  	_ = 	snop;
	(pc) =	sbr.ind lr, $3  }
0x3a: {  	_ = 	snop  }
0x3b: {  	_ = 	snop  }
0x3c: {  	p2 =	seq.s32 s10, $0x1;
	s10 =	sld [smem:$0x3FB8]  }
0x3d: {  	_ =	shalt  }
0x3e: {  	_ =	shalt  }
0x3f: {  	_ =	shalt  }
0x40: {  	_ =	shalt  }
0x41: {  	_ =	shalt  }
0x42: {  	_ =	shalt  }
0x43: {  	_ =	shalt  }
0x44: {  	_ =	shalt  }
0x45: {  	_ =	shalt  }
0x46: {  	_ =	shalt  }
0x47: {  	_ =	shalt  }
0x48: {  	_ =	shalt  }
0x49: {  	_ =	shalt  }
0x4a: {  	_ =	shalt  }
0x4b: {  	_ =	shalt  }
0x4c: {  	_ =	shalt  }
0x4d: {  	_ =	shalt  }
0x4e: {  	_ =	shalt  }
0x4f: {  	_ =	shalt  }
0x50: {  	_ =	shalt  }
0x51: {  	_ =	shalt  }
0x52: {  	_ =	shalt  }
0x53: {  	_ =	shalt  }
0x54: {  	_ =	shalt  }
0x55: {  	_ =	shalt  }
0x56: {  	_ =	shalt  }
0x57: {  	_ =	shalt  }
0x58: {  	_ =	shalt  }
0x59: {  	_ =	shalt  }
0x5a: {  	_ =	shalt  }
0x5b: {  	_ =	shalt  }
0x5c: {  	_ =	shalt  }
0x5d: {  	_ =	shalt  }
0x5e: {  	_ =	shalt  }
0x5f: {  	_ =	shalt  }
0x60: {  	_ =	shalt  }
0x61: {  	_ =	shalt  }
0x62: {  	_ =	shalt  }
0x63: {  	_ =	shalt  }
0x64: {  	_ =	shalt  }
0x65: {  	_ =	shalt  }
0x66: {  	_ =	shalt  }
0x67: {  	_ =	shalt  }
0x68: {  	_ =	shalt  }
0x69: {  	_ =	shalt  }
0x6a: {  	_ =	shalt  }
0x6b: {  	_ =	shalt  }
0x6c: {  	_ =	shalt  }
0x6d: {  	_ =	shalt  }
0x6e: {  	_ =	shalt  }
0x6f: {  	_ =	shalt  }
0x70: {  	_ =	shalt  }
0x71: {  	_ =	shalt  }
0x72: {  	_ =	shalt  }
0x73: {  	_ =	shalt  }
0x74: {  	_ =	shalt  }
0x75: {  	_ =	shalt  }
0x76: {  	_ =	shalt  }
0x77: {  	_ =	shalt  }
0x78: {  	_ =	shalt  }
0x79: {  	_ =	shalt  }
0x7a: {  	_ =	shalt  }
0x7b: {  	_ =	shalt  }
0x7c: {  	_ =	shalt  }
0x7d: {  	_ =	shalt  }
0x7e: {  	_ =	shalt  }
0x7f: {  	_ =	shalt  }
0x80: {  	_ =	shalt  }
0x81: {  	_ =	shalt  }
0x82: {  	_ =	shalt  }
0x83: {  	_ =	shalt  }
0x84: {  	_ =	shalt  }
0x85: {  	_ =	shalt  }
0x86: {  	_ =	shalt  }
0x87: {  	_ =	shalt  }
.Lfunc_end0:
.L_simem_size_0:
called_computation_lowered:
.L_overlay_start_0:
0x88: {  	s2 =	sld [smem:$0x3FD9]  }
0x89: {  	s3 =	sld [smem:$0x3FFE];
	_ =	sdelay $0x1  }
0x8a: {  	s1 =	srdreg.scid  }
0x8b: {  	s0 =	sand.u32 $0x1, s1  }
0x8c: {  	s15 =	sshll.u32 s0, $0xA;
	s2 =	sadd.s32 s3, s2  }
0x8d: {  	s2 =	sadd.s32 s2, s15  }
0x8e: {  	[smem:$0x3FC4] =	sst s2  }
0x8f: {  	_ = 	snop  }
0x90: {  	s2 =	sld [smem:$0x3FC9]  }
0x91: {  	s16 =	sld [smem:$0x3FD0]  }
0x92: {  	s4 =	sld [smem:$0x3FC8]  }
0x93: {  	s5 =	sld [smem:$0x3FC7]  }
0x94: {  	s7 =	simm.s32 $0xA;
	s8 =	simm.s32 $0x10;
	s6 =	sld [smem:$0x3FC6]  }
0x95: {  	[smem:s8], [sflag:s7] =	dma.local [hbm:s16], $0x1  }
0x96: {  	_ =	swait.eq [sflag:s7], $0x1  }
0x97: {  	[sflag:s7] =	ssyncset.done $0x0  }
0x98: {  	s17 =	sld [smem:$0x10];
	[sflag:s7] =	ssyncadd.s32 $0xFFFFFFFF  }
0x99: {  	s18 =	sld [smem:$0x11];
	(tm) =	ssettm $0x1  }
0x9a: {  	s19 =	sld [smem:$0x3FFB];
	_ =	sdelay $0x3  }
0x9b: {  	_ =	strace s19  }
0x9c: {  	s8 =	sld [smem:$0x3FFC];
	_ =	sdelay $0x3  }
0x9d: {  	_ =	strace s8  }
0x9e: {  	s8 =	sld [smem:$0x3FFD];
	_ =	sdelay $0x3  }
0x9f: {  	_ =	strace s8  }
0xa0: {  	_ =	strace $0x8FFFFFFF  }
0xa1: {  	s20 =	sld [smem:$0x3FDB];
	_ =	sdelay $0x1  }
0xa2: {  	s9 =	simm.s32 $_scs_section_size  }
0xa3: {  	s10 =	simm.s32 $_size__tile_overlayer_lowered;
	s11 =	simm.s32 $_tile_overlayer_lowered  }
0xa4: {  	s23 =	simm.s32 $0x1BFF;
	s22 =	sshll.u32 s11, $0x1;
	s8 =	sadd.s32 s9, s20  }
0xa5: {  	s12 =	simm.s32 $0x0;
	s21 =	sshll.u32 s10, $0x1;
	s10 =	sadd.s32 s22, s8  }
0xa6: {  	[timem:s12], [sflag:s23] =	dma.local [hbm:s10], s21  }
0xa7: {  	_ =	swait.ge [sflag:s23], s21  }
0xa8: {  	s9 =	ssub.s32 $0x0, s21;
	[sflag:s23] =	ssyncset.done $0x0  }
0xa9: {  	[sflag:s23] =	ssyncadd.s32 s9;
	_ =	sdelay $0x1  }
0xaa: {  	s24 =	simm.s32 $0x1B8B  }
0xab: {  	_ =	swait.ge [sflag:s24], $0x1  }
0xac: {  	[sflag:s24] =	ssyncset.done $0x0  }
0xad: {  	s25 =	simm.s32 $0x1B8E;
	[sflag:s24] =	ssyncadd.s32 $0xFFFFFFFF  }
0xae: {  	s26 =	simm.s32 $execute0_lowered;
	[smem:$0x3FD2] =	sst s25  }
0xaf: {  	s9 =	sshll.u32 s26, $0x1;
	_ =	strace $0x80000046;
	[dreg:$0x1] =	wrdreg $0xFFFFFFFF  }
0xb0: {  	s28 =	simm.s32 $_size_execute0_lowered;
	s8 =	sadd.s32 s8, s9;
	[dreg:$0x0] =	wrdreg $0x0  }
0xb1: {  	s9 =	sshll.u32 s28, $0x1;
	[dreg:$0x2] =	wrdreg s8  }
0xb2: {  	[dreg:$0x3] =	wrdreg s9  }
0xb3: {  	[dreg:$0x4] =	wrdreg $0xC0  }
0xb4: {  	_ =	task [dreg:s12], $0x5FFFF  }
0xb5: {  	[dreg:$0x1] =	wrdreg $0xFFFFFFFF  }
0xb6: {  	[dreg:$0x0] =	wrdreg $0x60  }
0xb7: {  	[dreg:$0x2] =	wrdreg s2  }
0xb8: {  	[dreg:$0x3] =	wrdreg s4  }
0xb9: {  	[dreg:$0x4] =	wrdreg s5  }
0xba: {  	[dreg:$0x5] =	wrdreg s6  }
0xbb: {  	[dreg:$0x6] =	wrdreg s17  }
0xbc: {  	[dreg:$0x7] =	wrdreg s18  }
0xbd: {  	[dreg:$0x8] =	wrdreg $0x9  }
0xbe: {  	_ =	task.clear_ibuf [dreg:s12], $0x9FFFF;
	_ =	strace $0x90000046  }
0xbf: {  	s29 =	simm.s32 $0x9;
	_ =	strace $0x80000048  }
0xc0: {  	_ =	swait.ge [sflag:s29], $0x1  }
0xc1: {  	[sflag:s29] =	ssyncadd.s32 $0xFFFFFFFF  }
0xc2: {  	_ =	strace $0x90000048  }
0xc3: {  	_ =	sfence  }
0xc4: {  	s30 =	sld [smem:$0x0];
	_ =	sdelay $0x2  }
0xc5: {  	s31 =	sshll.u32 s1, $0xD;
	s1 =	sshrl.u32 s1, $0x2  }
0xc6: {  	s3 =	sand.u32 $0x4000, s31;
	s1 =	sadd.s32 s1, s30  }
0xc7: {  	s0 =	sor.u32 s3, s0;
	s1 =	sshll.u32 s1, $0x11  }
0xc8: {  	s0 =	sor.u32 s1, s0  }
0xc9: {  	s0 =	sadd.s32 $0x8F2B, s0  }
0xca: {  	[sflag:s0] =	ssyncadd.remote.s32 $0x1  }
0xcb: {  	_ =	sfence.sel $0xFFFF  }
0xcc: {  	[dreg:$0x0] =	wrdreg $0xFFFFFFFF;
	(pc) =	sbr.abs _section_cstart, $3  }
0xcd: {  	[dreg:$0x1] =	wrdreg $0xFFFFFFFF  }
0xce: {  	_ =	task.clear_ibuf [dreg:s12], $0x2FFFF;
	_ =	strace $0x9FFFFFFF  }
0xcf: {  	(tm) =	ssettm $0x7FFFFFFF  }
tec
execute0_lowered:
.L_overlay_start_1:
0x0: {  	(tag) =	ssettag $0x1  }
0x1: {  	s0 =	rddreg [dreg:$0x0]  }
0x2: {  	s2 =	rddreg [dreg:$0x2]  }
0x3: {  	s5 =	rddreg [dreg:$0x3]  }
0x4: {  	s1 =	srdreg.scid;
	s6 =	rddreg [dreg:$0x4]  }
0x5: {  	s13 =	stileid.u32;
	s8 =	rddreg [dreg:$0x5];
	s3 =	simm.s32 $0x0  }
0x6: {  	s19 =	simm.s32 $0x100;
	s20 =	simm.s32 $0xC8;
	[dreg:$0x7] =	wrdreg s0  }
0x7: {  	s21 =	simm.s32 $0x6E00;
	s22 =	simm.s32 $0x7600;
	s0 =	rddreg [dreg:$0x1]  }
0x8: {  	s24 =	simm.s32 $0x7E00;
	s25 =	simm.s32 $0x8600;
	[smem:$0x7FF] =	sst s3  }
0x9: {  	s26 =	simm.s32 $0x8E00;
	_ =	strace $0x80000047;
	[dreg:$0xa] =	wrdreg s19  }
0xa: {  	s30 =	simm.s32 $0x9600;
	s31 =	simm.s32 $0x9E00;
	[dreg:$0xb] =	wrdreg s20  }
0xb: {  	s12 =	simm.s32 $0xAE00;
	s9 =	smul.u32 $0x2710, s13;
	[dreg:$0xc] =	wrdreg s21  }
0xc: {  	s28 =	simm.s32 $0x12600;
	s18 =	smul.u32 $0x4E200, s13;
	[dreg:$0xd] =	wrdreg s22  }
0xd: {  	s7 =	sand.u32 $0x1, s1;
	s23 =	smul.u32 $0x27100, s13;
	[dreg:$0xe] =	wrdreg s24  }
0xe: {  	s29 =	simm.s32 $0x0;
	s4 =	smul.u32 $0x27100, s7;
	[dreg:$0xf] =	wrdreg s25  }
0xf: {  	s13 =	simm.s32 $0xB600;
	s17 =	smul.u32 $0x4E2000, s7;
	[dreg:$0x10] =	wrdreg s26  }
0x10: {  	s10 =	ssub.s32 $0x2, s7;
	s7 =	smul.u32 $0x271000, s7;
	[dreg:$0x11] =	wrdreg s30  }
0x11: {  	[dreg:$0x12] =	wrdreg s31;
	s19 =	simm.s32 $0xE600;
	s20 =	simm.s32 $0xEE00  }
0x12: {  	s21 =	simm.s32 $0xF600;
	s22 =	simm.s32 $0xFE00;
	s24 =	simm.s32 $0x10E00  }
0x13: {  	s25 =	simm.s32 $0x11600;
	s26 =	simm.s32 $0x11E00;
	s11 =	sshrl.u32 s10, $0x1  }
0x14: {  	s4 =	sadd.s32 s9, s4;
	s14 =	ssub.s32 s10, s11;
	s8 =	sadd.s32 s17, s8  }
0x15: {  	s6 =	sadd.s32 s7, s6;
	s7 =	simm.s32 $0x2;
	s9 =	simm.s32 $0x1  }
0x16: {  	s10 =	simm.s32 $0x6600;
	s11 =	simm.s32 $0xA600;
	s17 =	simm.s32 $0xD600  }
0x17: {  	s15 =	sshrl.u32 s4, $0x3;
	s16 =	smax.u32 s14, $0x1;
	s6 =	sadd.s32 s23, s6  }
0x18: {  	s14 =	simm.s32 $0xBE00;
	[dreg:$0x13] =	wrdreg s16;
	s5 =	sadd.s32 s15, s5  }
0x19: {  	v2 =	vlaneseq.u32;
	s23 =	simm.s32 $0x10600;
	s2 =	sadd.s32 s15, s2;
	[dreg:$0x8] =	wrdreg s5  }
0x1a: {  	vm0 =	vmmov $0xffff;
	v1 =	vshrl.u32 v2, $0x3;
	s15 =	simm.s32 $0xC600;
	s16 =	simm.s32 $0xCE00;
	[dreg:$0x9] =	wrdreg s2  }
0x1b: {  	v0 =	vand.u32 $0x7, v2;
	v2 =	vor.u32 $0x8, v2;
	v1 =	vmul.u32 $0x8, v1;
	s5 =	sadd.s32 s18, s8;
	s8 =	simm.s32 $0x200;
	s18 =	simm.s32 $0xDE00  }
.LBB2_1:
0x1c: {  	s30 =	smov.u32 s6;
	s31 =	smov.u32 s5;
	s2 =	simm.s32 $0x0  }
.LBB2_2:
0x1d: {  	s1 =	rddreg [dreg:$0x9]  }
0x1e: {  	s1 =	sadd.s32 s2, s1  }
0x1f: {  	[tilespmem:s3], [sflag:$0x2] =	stream.linear.gather [hbm4b:s1+s3], $0xC8, $0x38;
	[tilespmem:$0x12E00] =	vst v63  }
0x20: {  	_ =	swait.ge [sflag:s7], $0xC8  }
0x21: {  	s1 =	rddreg [dreg:$0x8];
	[sflag:s7] =	ssyncset.done $0x0  }
0x22: {  	s4 =	rddreg [dreg:$0xa];
	[sflag:s7] =	ssyncadd.s32 $0xFFFFFF38;
	s1 =	sadd.s32 s2, s1  }
0x23: {  	[tilespmem:s4], [sflag:$0x2] =	stream.linear.gather [hbm4b:s1+s3], $0xC8, $0x38;
	[tilespmem:$0x12E00] =	vst v63  }
0x24: {  	_ =	swait.ge [sflag:s7], $0xC8  }
0x25: {  	s1 =	rddreg [dreg:$0x7];
	[sflag:s7] =	ssyncset.done $0x0  }
0x26: {  	s4 =	rddreg [dreg:$0xb];
	[sflag:s7] =	ssyncadd.s32 $0xFFFFFF38  }
0x27: {  	[tilespmem:s8], [sflag:$0x1] =	stream.indirect.gather [hbm4b:s1+s4], $0x80, s3, s4, $0xb8;
	[tilespmem:$0x12E00] =	vst v63  }
0x28: {  	_ =	swait.ge [sflag:s9], $0x6400  }
0x29: {  	[sflag:s9] =	ssyncset.done $0x0  }
0x2a: {  	[sflag:s9] =	ssyncadd.s32 $0xFFFF9C00  }
0x2b: {  	v3 =	vld [tilespmem:$0x100];
	_ =	sdelay $0x4  }
0x2c: {  	v4 =	vshll.u32 v3, $0x1  }
0x2d: {  	v3 =	vand.u32 $0x7, v3;
	v4 =	vand.u32 $0xFFFFFFF0, v4  }
0x2e: {  	v3 =	vor.u32 v3, v4  }
0x2f: {  	v4 =	vperm.xlane v3, v0;
	_ =	sdelay $0x1  }
0x30: {  	v3 =	vperm.xlane v3, v2;
	v4 =	vadd.s32 v1, v4;
	_ =	sdelay $0x1  }
0x31: {  	v3 =	vadd.s32 v1, v3;
	_ =	sdelay $0x2  }
0x32: {  	[tilespmem:s10], [sflag:$0x1] =	stream.indirect_vreg.gather [hbm4b:s0+s3], $0x80, v4, vm0, $0xb8;
	[tilespmem:$0x12E00] =	vst v63  }
0x33: {  	s4 =	rddreg [dreg:$0xc]  }
0x34: {  	[tilespmem:s4], [sflag:$0x1] =	stream.indirect_vreg.gather [hbm4b:s0+s3], $0x80, v3, vm0, $0xb8;
	[tilespmem:$0x12E00] =	vst v63  }
0x35: {  	v3 =	vld [tilespmem:$0x110];
	_ =	sdelay $0x4  }
0x36: {  	v52 =	vshll.u32 v3, $0x1  }
0x37: {  	v3 =	vand.u32 $0x7, v3;
	v4 =	vand.u32 $0xFFFFFFF0, v52  }
0x38: {  	v3 =	vor.u32 v3, v4  }
0x39: {  	v4 =	vperm.xlane v3, v0;
	_ =	sdelay $0x1  }
0x3a: {  	v3 =	vperm.xlane v3, v2;
	v4 =	vadd.s32 v1, v4;
	_ =	sdelay $0x1  }
0x3b: {  	v3 =	vadd.s32 v1, v3;
	_ =	sdelay $0x1  }
0x3c: {  	s1 =	rddreg [dreg:$0xd]  }
0x3d: {  	[tilespmem:s1], [sflag:$0x1] =	stream.indirect_vreg.gather [hbm4b:s0+s3], $0x80, v4, vm0, $0xb8;
	[tilespmem:$0x12E00] =	vst v63  }
0x3e: {  	s4 =	rddreg [dreg:$0xe]  }
0x3f: {  	[tilespmem:s4], [sflag:$0x1] =	stream.indirect_vreg.gather [hbm4b:s0+s3], $0x80, v3, vm0, $0xb8;
	[tilespmem:$0x12E00] =	vst v63  }
0x40: {  	v3 =	vld [tilespmem:$0x120];
	_ =	sdelay $0x4  }
0x41: {  	v53 =	vshll.u32 v3, $0x1  }
0x42: {  	v3 =	vand.u32 $0x7, v3;
	v4 =	vand.u32 $0xFFFFFFF0, v53  }
0x43: {  	v3 =	vor.u32 v3, v4  }
0x44: {  	v4 =	vperm.xlane v3, v0;
	_ =	sdelay $0x1  }
0x45: {  	v3 =	vperm.xlane v3, v2;
	v4 =	vadd.s32 v1, v4;
	_ =	sdelay $0x1  }
0x46: {  	v3 =	vadd.s32 v1, v3;
	_ =	sdelay $0x1  }
0x47: {  	s1 =	rddreg [dreg:$0xf]  }
0x48: {  	[tilespmem:s1], [sflag:$0x1] =	stream.indirect_vreg.gather [hbm4b:s0+s3], $0x80, v4, vm0, $0xb8;
	[tilespmem:$0x12E00] =	vst v63  }
0x49: {  	s4 =	rddreg [dreg:$0x10]  }
0x4a: {  	[tilespmem:s4], [sflag:$0x1] =	stream.indirect_vreg.gather [hbm4b:s0+s3], $0x80, v3, vm0, $0xb8;
	[tilespmem:$0x12E00] =	vst v63  }
0x4b: {  	v3 =	vld [tilespmem:$0x130];
	_ =	sdelay $0x4  }
0x4c: {  	v54 =	vshll.u32 v3, $0x1  }
0x4d: {  	v3 =	vand.u32 $0x7, v3;
	v4 =	vand.u32 $0xFFFFFFF0, v54  }
0x4e: {  	v3 =	vor.u32 v3, v4  }
0x4f: {  	v4 =	vperm.xlane v3, v0;
	_ =	sdelay $0x1  }
0x50: {  	v3 =	vperm.xlane v3, v2;
	v4 =	vadd.s32 v1, v4;
	_ =	sdelay $0x1  }
0x51: {  	v3 =	vadd.s32 v1, v3;
	_ =	sdelay $0x1  }
0x52: {  	s1 =	rddreg [dreg:$0x11]  }
0x53: {  	[tilespmem:s1], [sflag:$0x1] =	stream.indirect_vreg.gather [hbm4b:s0+s3], $0x80, v4, vm0, $0xb8;
	[tilespmem:$0x12E00] =	vst v63  }
0x54: {  	s4 =	rddreg [dreg:$0x12]  }
0x55: {  	[tilespmem:s4], [sflag:$0x1] =	stream.indirect_vreg.gather [hbm4b:s0+s3], $0x80, v3, vm0, $0xb8;
	[tilespmem:$0x12E00] =	vst v63  }
0x56: {  	v3 =	vld [tilespmem:$0x140];
	_ =	sdelay $0x4  }
0x57: {  	v55 =	vshll.u32 v3, $0x1  }
0x58: {  	v3 =	vand.u32 $0x7, v3;
	v4 =	vand.u32 $0xFFFFFFF0, v55  }
0x59: {  	v3 =	vor.u32 v3, v4  }
0x5a: {  	v4 =	vperm.xlane v3, v0;
	_ =	sdelay $0x1  }
0x5b: {  	v3 =	vperm.xlane v3, v2;
	v4 =	vadd.s32 v1, v4;
	_ =	sdelay $0x1  }
0x5c: {  	v3 =	vadd.s32 v1, v3;
	_ =	sdelay $0x2  }
0x5d: {  	[tilespmem:s11], [sflag:$0x1] =	stream.indirect_vreg.gather [hbm4b:s0+s3], $0x80, v4, vm0, $0xb8;
	[tilespmem:$0x12E00] =	vst v63  }
0x5e: {  	_ = 	snop  }
0x5f: {  	[tilespmem:s12], [sflag:$0x1] =	stream.indirect_vreg.gather [hbm4b:s0+s3], $0x80, v3, vm0, $0xb8;
	[tilespmem:$0x12E00] =	vst v63  }
0x60: {  	v3 =	vld [tilespmem:$0x150];
	_ =	sdelay $0x4  }
0x61: {  	v56 =	vshll.u32 v3, $0x1  }
0x62: {  	v3 =	vand.u32 $0x7, v3;
	v4 =	vand.u32 $0xFFFFFFF0, v56  }
0x63: {  	v3 =	vor.u32 v3, v4  }
0x64: {  	v4 =	vperm.xlane v3, v0;
	_ =	sdelay $0x1  }
0x65: {  	v3 =	vperm.xlane v3, v2;
	v4 =	vadd.s32 v1, v4;
	_ =	sdelay $0x1  }
0x66: {  	v3 =	vadd.s32 v1, v3;
	_ =	sdelay $0x2  }
0x67: {  	[tilespmem:s13], [sflag:$0x1] =	stream.indirect_vreg.gather [hbm4b:s0+s3], $0x80, v4, vm0, $0xb8;
	[tilespmem:$0x12E00] =	vst v63  }
0x68: {  	_ = 	snop  }
0x69: {  	[tilespmem:s14], [sflag:$0x1] =	stream.indirect_vreg.gather [hbm4b:s0+s3], $0x80, v3, vm0, $0xb8;
	[tilespmem:$0x12E00] =	vst v63  }
0x6a: {  	v3 =	vld [tilespmem:$0x160];
	_ =	sdelay $0x4  }
0x6b: {  	v57 =	vshll.u32 v3, $0x1  }
0x6c: {  	v3 =	vand.u32 $0x7, v3;
	v4 =	vand.u32 $0xFFFFFFF0, v57  }
0x6d: {  	v3 =	vor.u32 v3, v4  }
0x6e: {  	v4 =	vperm.xlane v3, v0;
	_ =	sdelay $0x1  }
0x6f: {  	v3 =	vperm.xlane v3, v2;
	v4 =	vadd.s32 v1, v4;
	_ =	sdelay $0x1  }
0x70: {  	v3 =	vadd.s32 v1, v3;
	_ =	sdelay $0x2  }
0x71: {  	[tilespmem:s15], [sflag:$0x1] =	stream.indirect_vreg.gather [hbm4b:s0+s3], $0x80, v4, vm0, $0xb8;
	[tilespmem:$0x12E00] =	vst v63  }
0x72: {  	_ = 	snop  }
0x73: {  	[tilespmem:s16], [sflag:$0x1] =	stream.indirect_vreg.gather [hbm4b:s0+s3], $0x80, v3, vm0, $0xb8;
	[tilespmem:$0x12E00] =	vst v63  }
0x74: {  	v3 =	vld [tilespmem:$0x170];
	_ =	sdelay $0x4  }
0x75: {  	v58 =	vshll.u32 v3, $0x1  }
0x76: {  	v3 =	vand.u32 $0x7, v3;
	v4 =	vand.u32 $0xFFFFFFF0, v58  }
0x77: {  	v3 =	vor.u32 v3, v4  }
0x78: {  	v4 =	vperm.xlane v3, v0;
	_ =	sdelay $0x1  }
0x79: {  	v3 =	vperm.xlane v3, v2;
	v4 =	vadd.s32 v1, v4;
	_ =	sdelay $0x1  }
0x7a: {  	v3 =	vadd.s32 v1, v3;
	_ =	sdelay $0x2  }
0x7b: {  	[tilespmem:s17], [sflag:$0x1] =	stream.indirect_vreg.gather [hbm4b:s0+s3], $0x80, v4, vm0, $0xb8;
	[tilespmem:$0x12E00] =	vst v63  }
0x7c: {  	_ = 	snop  }
0x7d: {  	[tilespmem:s18], [sflag:$0x1] =	stream.indirect_vreg.gather [hbm4b:s0+s3], $0x80, v3, vm0, $0xb8;
	[tilespmem:$0x12E00] =	vst v63  }
0x7e: {  	v3 =	vld [tilespmem:$0x180];
	_ =	sdelay $0x4  }
0x7f: {  	v59 =	vshll.u32 v3, $0x1  }
0x80: {  	v3 =	vand.u32 $0x7, v3;
	v4 =	vand.u32 $0xFFFFFFF0, v59  }
0x81: {  	v3 =	vor.u32 v3, v4  }
0x82: {  	v4 =	vperm.xlane v3, v0;
	_ =	sdelay $0x1  }
0x83: {  	v3 =	vperm.xlane v3, v2;
	v4 =	vadd.s32 v1, v4;
	_ =	sdelay $0x1  }
0x84: {  	v3 =	vadd.s32 v1, v3;
	_ =	sdelay $0x2  }
0x85: {  	[tilespmem:s19], [sflag:$0x1] =	stream.indirect_vreg.gather [hbm4b:s0+s3], $0x80, v4, vm0, $0xb8;
	[tilespmem:$0x12E00] =	vst v63  }
0x86: {  	_ = 	snop  }
0x87: {  	[tilespmem:s20], [sflag:$0x1] =	stream.indirect_vreg.gather [hbm4b:s0+s3], $0x80, v3, vm0, $0xb8;
	[tilespmem:$0x12E00] =	vst v63  }
0x88: {  	v3 =	vld [tilespmem:$0x190];
	_ =	sdelay $0x4  }
0x89: {  	v60 =	vshll.u32 v3, $0x1  }
0x8a: {  	v3 =	vand.u32 $0x7, v3;
	v4 =	vand.u32 $0xFFFFFFF0, v60  }
0x8b: {  	v3 =	vor.u32 v3, v4  }
0x8c: {  	v4 =	vperm.xlane v3, v0;
	_ =	sdelay $0x1  }
0x8d: {  	v3 =	vperm.xlane v3, v2;
	v4 =	vadd.s32 v1, v4;
	_ =	sdelay $0x1  }
0x8e: {  	v3 =	vadd.s32 v1, v3;
	_ =	sdelay $0x2  }
0x8f: {  	[tilespmem:s21], [sflag:$0x1] =	stream.indirect_vreg.gather [hbm4b:s0+s3], $0x80, v4, vm0, $0xb8;
	[tilespmem:$0x12E00] =	vst v63  }
0x90: {  	_ = 	snop  }
0x91: {  	[tilespmem:s22], [sflag:$0x1] =	stream.indirect_vreg.gather [hbm4b:s0+s3], $0x80, v3, vm0, $0xb8;
	[tilespmem:$0x12E00] =	vst v63  }
0x92: {  	v3 =	vld [tilespmem:$0x1A0];
	_ =	sdelay $0x4  }
0x93: {  	v61 =	vshll.u32 v3, $0x1  }
0x94: {  	v3 =	vand.u32 $0x7, v3;
	v4 =	vand.u32 $0xFFFFFFF0, v61  }
0x95: {  	v3 =	vor.u32 v3, v4  }
0x96: {  	v4 =	vperm.xlane v3, v0;
	_ =	sdelay $0x1  }
0x97: {  	v3 =	vperm.xlane v3, v2;
	v4 =	vadd.s32 v1, v4;
	_ =	sdelay $0x1  }
0x98: {  	v3 =	vadd.s32 v1, v3;
	_ =	sdelay $0x2  }
0x99: {  	[tilespmem:s23], [sflag:$0x1] =	stream.indirect_vreg.gather [hbm4b:s0+s3], $0x80, v4, vm0, $0xb8;
	[tilespmem:$0x12E00] =	vst v63  }
0x9a: {  	_ = 	snop  }
0x9b: {  	[tilespmem:s24], [sflag:$0x1] =	stream.indirect_vreg.gather [hbm4b:s0+s3], $0x80, v3, vm0, $0xb8;
	[tilespmem:$0x12E00] =	vst v63  }
0x9c: {  	v3 =	vld [tilespmem:$0x1B0];
	_ =	sdelay $0x4  }
0x9d: {  	v62 =	vshll.u32 v3, $0x1  }
0x9e: {  	v3 =	vand.u32 $0x7, v3;
	v4 =	vand.u32 $0xFFFFFFF0, v62  }
0x9f: {  	v3 =	vor.u32 v3, v4  }
0xa0: {  	v4 =	vperm.xlane v3, v0;
	_ =	sdelay $0x1  }
0xa1: {  	v3 =	vperm.xlane v3, v2;
	v4 =	vadd.s32 v1, v4;
	_ =	sdelay $0x1  }
0xa2: {  	v3 =	vadd.s32 v1, v3;
	_ =	sdelay $0x2  }
0xa3: {  	[tilespmem:s25], [sflag:$0x1] =	stream.indirect_vreg.gather [hbm4b:s0+s3], $0x80, v4, vm0, $0xb8;
	[tilespmem:$0x12E00] =	vst v63  }
0xa4: {  	_ = 	snop  }
0xa5: {  	[tilespmem:s26], [sflag:$0x1] =	stream.indirect_vreg.gather [hbm4b:s0+s3], $0x80, v3, vm0, $0xb8;
	[tilespmem:$0x12E00] =	vst v63  }
0xa6: {  	v3 =	vld.msk [tilespmem:$0x1C0], $0xff;
	_ =	sdelay $0x4  }
0xa7: {  	v63 =	vshll.u32 v3, $0x1  }
0xa8: {  	v3 =	vand.u32 $0x7, v3;
	v4 =	vand.u32 $0xFFFFFFF0, v63  }
0xa9: {  	v3 =	vor.u32 v3, v4  }
0xaa: {  	v3 =	vperm.xlane v3, v0;
	_ =	sdelay $0x1  }
0xab: {  	v3 =	vadd.s32 v1, v3;
	_ =	sdelay $0x4  }
0xac: {  	[tilespmem:s28], [sflag:$0x1] =	stream.indirect_vreg.gather [hbm4b:s0+s3], $0x80, v3, vm0, $0xb8;
	[tilespmem:$0x12E00] =	vst v63  }
0xad: {  	_ =	swait.ge [sflag:s9], $0xC800  }
0xae: {  	[sflag:s9] =	ssyncset.done $0x0  }
0xaf: {  	[sflag:s9] =	ssyncadd.s32 $0xFFFF3800  }
0xb0: {  	[hbm4b:s30+s3] =	stream.linear.scatter [tilespmem:s8], [sflag:$0x2], $0x6400, $0x38;
	[tilespmem:$0x12E00] =	vst v63  }
0xb1: {  	_ =	swait.ge [sflag:s7], $0x6400  }
0xb2: {  	p0 =	sne.s32 s2, $0x4C9;
	[sflag:s7] =	ssyncset.done $0x0  }
.Ltmp0:
0xb3: {  	[sflag:s7] =	ssyncadd.s32 $0xFFFF9C00;
	(pc) =	sbr.rel @p0 .LBB2_2-.Ltmp0, $4  }
0xb4: {  	[hbm4b:s31+s3] =	stream.linear.scatter [tilespmem:s10], [sflag:$0x2], $0xC800, $0x38;
	[tilespmem:$0x12E00] =	vst v63  }
0xb5: {  	_ =	swait.ge [sflag:s7], $0xC800  }
0xb6: {  	s2 =	sadd.s32 $0x19, s2;
	[sflag:s7] =	ssyncset.done $0x0  }
0xb7: {  	s30 =	sadd.s32 $0xC80, s30;
	s31 =	sadd.s32 $0x1900, s31;
	[sflag:s7] =	ssyncadd.s32 $0xFFFF3800  }
0xb8: {  	s29 =	sadd.s32 $0x1, s29;
	s1 =	rddreg [dreg:$0x13]  }
0xb9: {  	p0 =	sne.s32 s29, s1  }
.Ltmp1:
0xba: {  	_ = 	snop;
	(pc) =	sbr.rel @p0 .LBB2_1-.Ltmp1, $1  }
0xbb: {  	_ =	sdelay $0x3  }
0xbc: {  	_ =	sfence.sel $0x180000  }
0xbd: {  	[bflag:$0x0] =	sbarrier.arrive $0xFFFF  }
0xbe: {  	_ =	strace $0x90000047  }
0xbf: {  	s0 =	stileid.u32;
	[bflag:$0x2] =	sbarrier.arrive $0xFFFF  }
0xc0: {  	p0 =	sne.s32 s0, $0x0;
	s0 =	rddreg [dreg:$0x6]  }
0xc1: {  	s0 =	sadd.s32 @!p0 $0x100000, s0  }
0xc2: {  	[sflag:s0] =	ssyncadd.tile.s32 @!p0 $0x1;
	_ =	shalt  }
.Lfunc_end2:
_tile_overlayer_lowered:
.L_overlay_start_2:
0xc3: {  	(tag) =	ssettag $0x2  }
0xc4: {  	s0 =	rddreg [dreg:$0x0];
	s2 =	stileid.u32  }
0xc5: {  	s1 =	rddreg [dreg:$0x1];
	p0 =	sne.s32 s2, $0x0  }
0xc6: {  	s3 =	rddreg [dreg:$0x2];
	[bflag:$0x3] =	sbarrier.arrive $0xFFFF;
	s2 =	simm.s32 @!p0 $0x1C02  }
0xc7: {  	[timem:s3], [sflag:s2] =	dma.local @!p0 [hbm:s0], s1  }
0xc8: {  	s0 =	simm.s32 @!p0 $0x2  }
0xc9: {  	_ =	swait.ge @!p0 [sflag:s0], s1  }
0xca: {  	s1 =	ssub.s32 @!p0 $0x0, s1;
	[sflag:s0] =	ssyncset.done @!p0 $0x0  }
0xcb: {  	[sflag:s0] =	ssyncadd.s32 @!p0 s1  }
0xcc: {  	[bflag:$0x3] =	sbarrier.arrive $0xFFFF  }
0xcd: {  	_ =	shalt  }

</sc_bundles>
